<compile_context>
chip_gen: v7x
topology: tpu7x:2x2x1
jax: 0.10.2.dev20260603
libtpu: 0.0.44.dev20260713+nightly
codegen_flags: <defaults>
</compile_context>

<pallas_src>
import functools

import jax
import jax.numpy as jnp
from jax import lax
from jax.experimental import pallas as pl
from jax.experimental.pallas import tpu as pltpu
from jax.experimental.pallas import tpu_sc as plsc

_V = 1000000
_D = 64
_B = 4096
_S = 200

_CBLK = 31360
_NSTEP = pl.cdiv(_V, _CBLK)
_NW = 32
_RPW = _B // _NW


def _rowdot_body(tbl_ref, w_ref, b_ref, xv_ref, t_ref, xt_ref):
    x = tbl_ref[...]
    w8 = jnp.broadcast_to(w_ref[...], (8, _D))
    acc = jnp.dot(w8, x,
                  preferred_element_type=jnp.float32)
    t_ref[...] = ((acc[0:1] + b_ref[0]) * (1.0 / _S))[None]
    xt_ref[...] = xv_ref[...][None]


def _rowdot_shuffle(table, W, b, x):
    tt = table.T
    xv = x.T
    grid = (max(_NSTEP, _NW),)
    mat = lambda i: jnp.minimum(i, _NSTEP - 1)
    t, xt = pl.pallas_call(
        _rowdot_body,
        grid=grid,
        in_specs=[
            pl.BlockSpec((_D, _CBLK), lambda i: (0, mat(i))),
            pl.BlockSpec((1, _D), lambda i: (0, 0)),
            pl.BlockSpec(memory_space=pltpu.SMEM),
            pl.BlockSpec((_S, _RPW), lambda i: (0, jnp.minimum(i, _NW - 1))),
        ],
        out_specs=[
            pl.BlockSpec((1, 1, _CBLK), lambda i: (mat(i), 0, 0)),
            pl.BlockSpec((1, _S, _RPW),
                         lambda i: (jnp.minimum(i, _NW - 1), 0, 0)),
        ],
        out_shape=[
            jax.ShapeDtypeStruct((_NSTEP, 1, _CBLK), jnp.float32),
            jax.ShapeDtypeStruct((_NW, _S, _RPW), jnp.int32),
        ],
    )(tt, W, b, xv)
    return t.reshape(-1), xt.reshape(-1)


def _make_gather_kernel():
    info = plsc.get_sparse_core_info()
    nc, ns = info.num_cores, info.num_subcores
    nw = nc * ns
    rows_per_w = _B // nw
    idx_per_w = rows_per_w * _S
    n_grp = rows_per_w // 16

    mesh = plsc.VectorSubcoreMesh(core_axis_name="c", subcore_axis_name="s")

    tlen = _CBLK * _NSTEP
    tpw = tlen // ns

    @functools.partial(
        pl.kernel,
        out_type=jax.ShapeDtypeStruct((_B,), jnp.float32),
        mesh=mesh,
        scratch_types=[
            pltpu.VMEM((idx_per_w,), jnp.int32),
            pltpu.VMEM((idx_per_w,), jnp.float32),
            pltpu.VMEM((rows_per_w,), jnp.float32),
            pltpu.VMEM_SHARED((tlen,), jnp.float32),
            pltpu.SemaphoreType.DMA,
            pltpu.SemaphoreType.DMA,
            pltpu.SemaphoreType.DMA,
        ],
    )
    def gather_reduce(xt_hbm, t_hbm, out_hbm, idx_v, vals_v, out_v,
                      t_sh, sem, sem2, sem3):
        sid = lax.axis_index("s")
        wid = sid * nc + lax.axis_index("c")
        base = wid * idx_per_w
        idx_cp = pltpu.async_copy(xt_hbm.at[pl.ds(base, idx_per_w)],
                                  idx_v, sem2)
        pltpu.sync_copy(t_hbm.at[pl.ds(sid * tpw, tpw)],
                        t_sh.at[pl.ds(sid * tpw, tpw)])
        idx_cp.wait()
        plsc.subcore_barrier()
        half = idx_per_w // 2
        g1 = pltpu.async_copy(t_sh.at[idx_v.at[pl.ds(0, half)]],
                              vals_v.at[pl.ds(0, half)], sem)
        g2 = pltpu.async_copy(t_sh.at[idx_v.at[pl.ds(half, half)]],
                              vals_v.at[pl.ds(half, half)], sem3)

        def mkbody(goff):
            def body(c, accs):
                off = goff + c * rows_per_w
                return tuple(
                    accs[g] + vals_v[pl.ds(off + g * 16, 16)]
                    for g in range(n_grp)
                )
            return body

        g1.wait()
        accs = lax.fori_loop(
            0, _S // 2, mkbody(0),
            tuple(jnp.zeros((16,), jnp.float32) for _ in range(n_grp)))
        g2.wait()
        accs = lax.fori_loop(0, _S // 2, mkbody(half), accs)
        for g in range(n_grp):
            y = 1.0 / (1.0 + jnp.exp(-accs[g]))
            out_v[pl.ds(g * 16, 16)] = y

        pltpu.sync_copy(out_v,
                        out_hbm.at[pl.ds(wid * rows_per_w, rows_per_w)])

    return gather_reduce


def kernel(x, table, W, b):
    t, xt = _rowdot_shuffle(table, W, b, x)
    gk = _make_gather_kernel()
    out = gk(xt, t)
    return out.reshape(_B, 1)

# --- scband reference (transcript-rebuilt; emitter-appended) ---
"""Pipeline reference for scband-baseline-10582799417878 (READ-ONLY COPY).

The authoritative reference and input builder live on the scoring server;
editing this copy changes nothing except your own understanding.
"""

import jax, jax.numpy as jnp
import numpy as np

VOCAB = 1000000
EMBED_DIM = 64
BATCH = 4096
SEQ = 200

def setup_inputs(seed: int = 0) -> dict:
    key = jax.random.key(seed)
    k1, k2, k3 = jax.random.split(key, 3)
    x = jax.random.randint(k1, (BATCH, SEQ), 0, VOCAB, dtype=jnp.int64 if jax.config.jax_enable_x64 else jnp.int32).astype(jnp.int32)
    table = jax.random.normal(k2, (VOCAB, EMBED_DIM), dtype=jnp.float32) * 0.02
    W = jax.random.normal(k3, (1, EMBED_DIM), dtype=jnp.float32) * 0.1
    b = jnp.zeros((1,), dtype=jnp.float32)
    return {"x": x, "table": table, "W": W, "b": b}

def reference(x, table, W, b):
    # x = self.embedding(x)
    emb = jnp.take(table, x, axis=0)           # [B, S, D]
    # x = torch.mean(x, 1)
    m = jnp.mean(emb, axis=1)                  # [B, D]
    # x = self.fc1(x)
    y = m @ W.T + b                            # [B, 1]
    # x = torch.sigmoid(x)
    return jax.nn.sigmoid(y)

if __name__ == "__main__":
    import jax
    _d = setup_inputs()
    print(jax.jit(kernel)(*tuple(_d.values())))

</pallas_src>

<mosaic_0001>
#map = affine_map<(d0, d1) -> (0)>
module attributes {stable_mosaic.version = 14 : i64} {
  func.func @gather_reduce(%arg0: i32, %arg1: i32, %arg2: memref<819200xi32, #tpu.memory_space<hbm>>, %arg3: memref<1003520xf32, #tpu.memory_space<hbm>>, %arg4: memref<4096xf32, #tpu.memory_space<hbm>>, %arg5: memref<25600xi32, #tpu.memory_space<vmem>>, %arg6: memref<25600xf32, #tpu.memory_space<vmem>>, %arg7: memref<128xf32, #tpu.memory_space<vmem>>, %arg8: memref<1003520xf32, #tpu.memory_space<vmem_shared>>, %arg9: memref<!tpu.dma_semaphore, #tpu.memory_space<semaphore_mem>>, %arg10: memref<!tpu.dma_semaphore, #tpu.memory_space<semaphore_mem>>, %arg11: memref<!tpu.dma_semaphore, #tpu.memory_space<semaphore_mem>>) attributes {dimension_semantics = [#tpu.dimension_semantics<core_parallel>, #tpu.dimension_semantics<subcore_parallel>], iteration_bounds = array<i64: 2, 16>, scalar_prefetch = 0 : i64, scratch_operands = 7 : i64, tpu.core_type = #tpu.core_type<sc_vector_subcore>, window_params = [{transform_indices = #map}, {transform_indices = #map}, {transform_indices = #map}]} {
    %mul3A = arith.constant 2 : i32
    %mul3A_0 = arith.muli %arg1, %mul3A : i32
    %add3A = arith.addi %mul3A_0, %arg0 : i32
    %mul3A_1 = arith.constant 25600 : i32
    %mul3A_2 = arith.muli %add3A, %mul3A_1 : i32
    %dma_start3A = tpu.memref_slice %arg2[%mul3A_2] : memref<819200xi32, #tpu.memory_space<hbm>> -> memref<25600xi32, #tpu.memory_space<hbm>>
    %dma_start3A_3 = tpu.memref_slice %arg2[%mul3A_2] : memref<819200xi32, #tpu.memory_space<hbm>> -> memref<25600xi32, #tpu.memory_space<hbm>>
    tpu.enqueue_dma source(%dma_start3A_3 : memref<25600xi32, #tpu.memory_space<hbm>>) target(%arg5 : memref<25600xi32, #tpu.memory_space<vmem>>) target_semaphore(%arg10 : memref<!tpu.dma_semaphore, #tpu.memory_space<semaphore_mem>>)
    %mul3A_4 = arith.constant 62720 : i32
    %mul3A_5 = arith.muli %arg1, %mul3A_4 : i32
    %mul3A_6 = arith.constant 62720 : i32
    %mul3A_7 = arith.muli %arg1, %mul3A_6 : i32
    "tpu.region"() ({
      %run_scoped3A = tpu.sem_alloc : memref<!tpu.dma_semaphore, #tpu.memory_space<semaphore_mem>>
      %dma_start3A_169 = tpu.memref_slice %arg8[%mul3A_7] : memref<1003520xf32, #tpu.memory_space<vmem_shared>> -> memref<62720xf32, #tpu.memory_space<vmem_shared>>
      %dma_start3A_170 = tpu.memref_slice %arg3[%mul3A_5] : memref<1003520xf32, #tpu.memory_space<hbm>> -> memref<62720xf32, #tpu.memory_space<hbm>>
      tpu.enqueue_dma source(%dma_start3A_170 : memref<62720xf32, #tpu.memory_space<hbm>>) target(%dma_start3A_169 : memref<62720xf32, #tpu.memory_space<vmem_shared>>) target_semaphore(%run_scoped3A : memref<!tpu.dma_semaphore, #tpu.memory_space<semaphore_mem>>)
      %dma_wait3A_171 = tpu.memref_slice %arg8[%mul3A_7] : memref<1003520xf32, #tpu.memory_space<vmem_shared>> -> memref<62720xf32, #tpu.memory_space<vmem_shared>>
      %dma_wait3A_172 = tpu.memref_slice %arg3[%mul3A_5] : memref<1003520xf32, #tpu.memory_space<hbm>> -> memref<62720xf32, #tpu.memory_space<hbm>>
      tpu.wait_dma2 semaphore(%run_scoped3A : memref<!tpu.dma_semaphore, #tpu.memory_space<semaphore_mem>>) src(%dma_wait3A_172 : memref<62720xf32, #tpu.memory_space<hbm>>) dst(%dma_wait3A_171 : memref<62720xf32, #tpu.memory_space<vmem_shared>>)
      tpu.yield
    }) : () -> ()
    %dma_wait3A = tpu.memref_slice %arg2[%mul3A_2] : memref<819200xi32, #tpu.memory_space<hbm>> -> memref<25600xi32, #tpu.memory_space<hbm>>
    %dma_wait3A_8 = tpu.memref_slice %arg2[%mul3A_2] : memref<819200xi32, #tpu.memory_space<hbm>> -> memref<25600xi32, #tpu.memory_space<hbm>>
    tpu.wait_dma2 semaphore(%arg10 : memref<!tpu.dma_semaphore, #tpu.memory_space<semaphore_mem>>) src(%dma_wait3A_8 : memref<25600xi32, #tpu.memory_space<hbm>>) dst(%arg5 : memref<25600xi32, #tpu.memory_space<vmem>>)
    %barrier3A = arith.constant 0 : index
    tpu.barrier barrier_id(%barrier3A)
    %dma_start3A_9 = arith.constant 0 : i32
    %dma_start3A_10 = tpu.memref_slice %arg6[%dma_start3A_9] : memref<25600xf32, #tpu.memory_space<vmem>> -> memref<12800xf32, #tpu.memory_space<vmem>>
    %dma_start3A_11 = arith.constant 0 : i32
    %dma_start3A_12 = tpu.memref_slice %arg5[%dma_start3A_11] : memref<25600xi32, #tpu.memory_space<vmem>> -> memref<12800xi32, #tpu.memory_space<vmem>>
    %dma_start3A_13 = arith.constant 0 : i32
    %dma_start3A_14 = tpu.memref_slice %arg8[%dma_start3A_13] : memref<1003520xf32, #tpu.memory_space<vmem_shared>> -> memref<1003520xf32, #tpu.memory_space<vmem_shared>>
    tpu.enqueue_indirect_dma source(%dma_start3A_14 : memref<1003520xf32, #tpu.memory_space<vmem_shared>>) target(%dma_start3A_10 : memref<12800xf32, #tpu.memory_space<vmem>>) offsets(%dma_start3A_12 : memref<12800xi32, #tpu.memory_space<vmem>>) semaphore(%arg9 : memref<!tpu.dma_semaphore, #tpu.memory_space<semaphore_mem>>)
    %dma_start3A_15 = arith.constant 12800 : i32
    %dma_start3A_16 = tpu.memref_slice %arg6[%dma_start3A_15] : memref<25600xf32, #tpu.memory_space<vmem>> -> memref<12800xf32, #tpu.memory_space<vmem>>
    %dma_start3A_17 = arith.constant 12800 : i32
    %dma_start3A_18 = tpu.memref_slice %arg5[%dma_start3A_17] : memref<25600xi32, #tpu.memory_space<vmem>> -> memref<12800xi32, #tpu.memory_space<vmem>>
    %dma_start3A_19 = arith.constant 0 : i32
    %dma_start3A_20 = tpu.memref_slice %arg8[%dma_start3A_19] : memref<1003520xf32, #tpu.memory_space<vmem_shared>> -> memref<1003520xf32, #tpu.memory_space<vmem_shared>>
    tpu.enqueue_indirect_dma source(%dma_start3A_20 : memref<1003520xf32, #tpu.memory_space<vmem_shared>>) target(%dma_start3A_16 : memref<12800xf32, #tpu.memory_space<vmem>>) offsets(%dma_start3A_18 : memref<12800xi32, #tpu.memory_space<vmem>>) semaphore(%arg11 : memref<!tpu.dma_semaphore, #tpu.memory_space<semaphore_mem>>)
    %dma_wait3A_21 = arith.constant 0 : i32
    %dma_wait3A_22 = tpu.memref_slice %arg6[%dma_wait3A_21] : memref<25600xf32, #tpu.memory_space<vmem>> -> memref<12800xf32, #tpu.memory_space<vmem>>
    %dma_wait3A_23 = arith.constant 0 : i32
    %dma_wait3A_24 = tpu.memref_slice %arg5[%dma_wait3A_23] : memref<25600xi32, #tpu.memory_space<vmem>> -> memref<12800xi32, #tpu.memory_space<vmem>>
    %dma_wait3A_25 = arith.constant 0 : i32
    %dma_wait3A_26 = tpu.memref_slice %arg8[%dma_wait3A_25] : memref<1003520xf32, #tpu.memory_space<vmem_shared>> -> memref<1003520xf32, #tpu.memory_space<vmem_shared>>
    tpu.wait_indirect_dma semaphore(%arg9 : memref<!tpu.dma_semaphore, #tpu.memory_space<semaphore_mem>>) src(%dma_wait3A_26 : memref<1003520xf32, #tpu.memory_space<vmem_shared>>) dst(%dma_wait3A_22 : memref<12800xf32, #tpu.memory_space<vmem>>)
    %broadcast_in_dim3A = arith.constant 0.000000e+00 : f32
    %broadcast_in_dim3A_27 = vector.broadcast %broadcast_in_dim3A : f32 to vector<16xf32>
    %broadcast_in_dim3A_28 = arith.constant 0.000000e+00 : f32
    %broadcast_in_dim3A_29 = vector.broadcast %broadcast_in_dim3A_28 : f32 to vector<16xf32>
    %broadcast_in_dim3A_30 = arith.constant 0.000000e+00 : f32
    %broadcast_in_dim3A_31 = vector.broadcast %broadcast_in_dim3A_30 : f32 to vector<16xf32>
    %broadcast_in_dim3A_32 = arith.constant 0.000000e+00 : f32
    %broadcast_in_dim3A_33 = vector.broadcast %broadcast_in_dim3A_32 : f32 to vector<16xf32>
    %broadcast_in_dim3A_34 = arith.constant 0.000000e+00 : f32
    %broadcast_in_dim3A_35 = vector.broadcast %broadcast_in_dim3A_34 : f32 to vector<16xf32>
    %broadcast_in_dim3A_36 = arith.constant 0.000000e+00 : f32
    %broadcast_in_dim3A_37 = vector.broadcast %broadcast_in_dim3A_36 : f32 to vector<16xf32>
    %broadcast_in_dim3A_38 = arith.constant 0.000000e+00 : f32
    %broadcast_in_dim3A_39 = vector.broadcast %broadcast_in_dim3A_38 : f32 to vector<16xf32>
    %broadcast_in_dim3A_40 = arith.constant 0.000000e+00 : f32
    %broadcast_in_dim3A_41 = vector.broadcast %broadcast_in_dim3A_40 : f32 to vector<16xf32>
    %scan3A = arith.constant 0 : i32
    %scan3A_42 = arith.constant 100 : i32
    %scan3A_43 = arith.addi %scan3A, %scan3A_42 : i32
    %scan3A_44 = arith.constant 1 : i32
    %scan3A_45:8 = scf.for %scan3A_169 = %scan3A to %scan3A_43 step %scan3A_44 iter_args(%scan3A_170 = %broadcast_in_dim3A_27, %scan3A_171 = %broadcast_in_dim3A_29, %scan3A_172 = %broadcast_in_dim3A_31, %scan3A_173 = %broadcast_in_dim3A_33, %scan3A_174 = %broadcast_in_dim3A_35, %scan3A_175 = %broadcast_in_dim3A_37, %scan3A_176 = %broadcast_in_dim3A_39, %scan3A_177 = %broadcast_in_dim3A_41) -> (vector<16xf32>, vector<16xf32>, vector<16xf32>, vector<16xf32>, vector<16xf32>, vector<16xf32>, vector<16xf32>, vector<16xf32>)  : i32 {
      %mul3A_178 = arith.constant 128 : i32
      %mul3A_179 = arith.muli %scan3A_169, %mul3A_178 : i32
      %add3A_180 = arith.constant 0 : i32
      %add3A_181 = arith.addi %add3A_180, %mul3A_179 : i32
      %add3A_182 = arith.constant 0 : i32
      %add3A_183 = arith.addi %add3A_181, %add3A_182 : i32
      %get3A = arith.index_cast %add3A_183 : i32 to index
      %get3A_184 = tpu.vector_load %arg6[%get3A] {strides = array<i32>} : memref<25600xf32, #tpu.memory_space<vmem>>, vector<16xf32>,
      %get3A_185 = vector.shape_cast %get3A_184 : vector<16xf32> to vector<16xf32>
      %add3A_186 = arith.addf %scan3A_170, %get3A_185 : vector<16xf32>
      %add3A_187 = arith.constant 16 : i32
      %add3A_188 = arith.addi %add3A_181, %add3A_187 : i32
      %get3A_189 = arith.index_cast %add3A_188 : i32 to index
      %get3A_190 = tpu.vector_load %arg6[%get3A_189] {strides = array<i32>} : memref<25600xf32, #tpu.memory_space<vmem>>, vector<16xf32>,
      %get3A_191 = vector.shape_cast %get3A_190 : vector<16xf32> to vector<16xf32>
      %add3A_192 = arith.addf %scan3A_171, %get3A_191 : vector<16xf32>
      %add3A_193 = arith.constant 32 : i32
      %add3A_194 = arith.addi %add3A_181, %add3A_193 : i32
      %get3A_195 = arith.index_cast %add3A_194 : i32 to index
      %get3A_196 = tpu.vector_load %arg6[%get3A_195] {strides = array<i32>} : memref<25600xf32, #tpu.memory_space<vmem>>, vector<16xf32>,
      %get3A_197 = vector.shape_cast %get3A_196 : vector<16xf32> to vector<16xf32>
      %add3A_198 = arith.addf %scan3A_172, %get3A_197 : vector<16xf32>
      %add3A_199 = arith.constant 48 : i32
      %add3A_200 = arith.addi %add3A_181, %add3A_199 : i32
      %get3A_201 = arith.index_cast %add3A_200 : i32 to index
      %get3A_202 = tpu.vector_load %arg6[%get3A_201] {strides = array<i32>} : memref<25600xf32, #tpu.memory_space<vmem>>, vector<16xf32>,
      %get3A_203 = vector.shape_cast %get3A_202 : vector<16xf32> to vector<16xf32>
      %add3A_204 = arith.addf %scan3A_173, %get3A_203 : vector<16xf32>
      %add3A_205 = arith.constant 64 : i32
      %add3A_206 = arith.addi %add3A_181, %add3A_205 : i32
      %get3A_207 = arith.index_cast %add3A_206 : i32 to index
      %get3A_208 = tpu.vector_load %arg6[%get3A_207] {strides = array<i32>} : memref<25600xf32, #tpu.memory_space<vmem>>, vector<16xf32>,
      %get3A_209 = vector.shape_cast %get3A_208 : vector<16xf32> to vector<16xf32>
      %add3A_210 = arith.addf %scan3A_174, %get3A_209 : vector<16xf32>
      %add3A_211 = arith.constant 80 : i32
      %add3A_212 = arith.addi %add3A_181, %add3A_211 : i32
      %get3A_213 = arith.index_cast %add3A_212 : i32 to index
      %get3A_214 = tpu.vector_load %arg6[%get3A_213] {strides = array<i32>} : memref<25600xf32, #tpu.memory_space<vmem>>, vector<16xf32>,
      %get3A_215 = vector.shape_cast %get3A_214 : vector<16xf32> to vector<16xf32>
      %add3A_216 = arith.addf %scan3A_175, %get3A_215 : vector<16xf32>
      %add3A_217 = arith.constant 96 : i32
      %add3A_218 = arith.addi %add3A_181, %add3A_217 : i32
      %get3A_219 = arith.index_cast %add3A_218 : i32 to index
      %get3A_220 = tpu.vector_load %arg6[%get3A_219] {strides = array<i32>} : memref<25600xf32, #tpu.memory_space<vmem>>, vector<16xf32>,
      %get3A_221 = vector.shape_cast %get3A_220 : vector<16xf32> to vector<16xf32>
      %add3A_222 = arith.addf %scan3A_176, %get3A_221 : vector<16xf32>
      %add3A_223 = arith.constant 112 : i32
      %add3A_224 = arith.addi %add3A_181, %add3A_223 : i32
      %get3A_225 = arith.index_cast %add3A_224 : i32 to index
      %get3A_226 = tpu.vector_load %arg6[%get3A_225] {strides = array<i32>} : memref<25600xf32, #tpu.memory_space<vmem>>, vector<16xf32>,
      %get3A_227 = vector.shape_cast %get3A_226 : vector<16xf32> to vector<16xf32>
      %add3A_228 = arith.addf %scan3A_177, %get3A_227 : vector<16xf32>
      scf.yield %add3A_186, %add3A_192, %add3A_198, %add3A_204, %add3A_210, %add3A_216, %add3A_222, %add3A_228 : vector<16xf32>, vector<16xf32>, vector<16xf32>, vector<16xf32>, vector<16xf32>, vector<16xf32>, vector<16xf32>, vector<16xf32>
    }
    %scan3A_46 = arith.constant 100 : i32
    %dma_wait3A_47 = arith.constant 12800 : i32
    %dma_wait3A_48 = tpu.memref_slice %arg6[%dma_wait3A_47] : memref<25600xf32, #tpu.memory_space<vmem>> -> memref<12800xf32, #tpu.memory_space<vmem>>
    %dma_wait3A_49 = arith.constant 12800 : i32
    %dma_wait3A_50 = tpu.memref_slice %arg5[%dma_wait3A_49] : memref<25600xi32, #tpu.memory_space<vmem>> -> memref<12800xi32, #tpu.memory_space<vmem>>
    %dma_wait3A_51 = arith.constant 0 : i32
    %dma_wait3A_52 = tpu.memref_slice %arg8[%dma_wait3A_51] : memref<1003520xf32, #tpu.memory_space<vmem_shared>> -> memref<1003520xf32, #tpu.memory_space<vmem_shared>>
    tpu.wait_indirect_dma semaphore(%arg11 : memref<!tpu.dma_semaphore, #tpu.memory_space<semaphore_mem>>) src(%dma_wait3A_52 : memref<1003520xf32, #tpu.memory_space<vmem_shared>>) dst(%dma_wait3A_48 : memref<12800xf32, #tpu.memory_space<vmem>>)
    %scan3A_53 = arith.constant 0 : i32
    %scan3A_54 = arith.constant 100 : i32
    %scan3A_55 = arith.addi %scan3A_53, %scan3A_54 : i32
    %scan3A_56 = arith.constant 1 : i32
    %scan3A_57:8 = scf.for %scan3A_169 = %scan3A_53 to %scan3A_55 step %scan3A_56 iter_args(%scan3A_170 = %scan3A_45#0, %scan3A_171 = %scan3A_45#1, %scan3A_172 = %scan3A_45#2, %scan3A_173 = %scan3A_45#3, %scan3A_174 = %scan3A_45#4, %scan3A_175 = %scan3A_45#5, %scan3A_176 = %scan3A_45#6, %scan3A_177 = %scan3A_45#7) -> (vector<16xf32>, vector<16xf32>, vector<16xf32>, vector<16xf32>, vector<16xf32>, vector<16xf32>, vector<16xf32>, vector<16xf32>)  : i32 {
      %mul3A_178 = arith.constant 128 : i32
      %mul3A_179 = arith.muli %scan3A_169, %mul3A_178 : i32
      %add3A_180 = arith.constant 12800 : i32
      %add3A_181 = arith.addi %add3A_180, %mul3A_179 : i32
      %add3A_182 = arith.constant 0 : i32
      %add3A_183 = arith.addi %add3A_181, %add3A_182 : i32
      %get3A = arith.index_cast %add3A_183 : i32 to index
      %get3A_184 = tpu.vector_load %arg6[%get3A] {strides = array<i32>} : memref<25600xf32, #tpu.memory_space<vmem>>, vector<16xf32>,
      %get3A_185 = vector.shape_cast %get3A_184 : vector<16xf32> to vector<16xf32>
      %add3A_186 = arith.addf %scan3A_170, %get3A_185 : vector<16xf32>
      %add3A_187 = arith.constant 16 : i32
      %add3A_188 = arith.addi %add3A_181, %add3A_187 : i32
      %get3A_189 = arith.index_cast %add3A_188 : i32 to index
      %get3A_190 = tpu.vector_load %arg6[%get3A_189] {strides = array<i32>} : memref<25600xf32, #tpu.memory_space<vmem>>, vector<16xf32>,
      %get3A_191 = vector.shape_cast %get3A_190 : vector<16xf32> to vector<16xf32>
      %add3A_192 = arith.addf %scan3A_171, %get3A_191 : vector<16xf32>
      %add3A_193 = arith.constant 32 : i32
      %add3A_194 = arith.addi %add3A_181, %add3A_193 : i32
      %get3A_195 = arith.index_cast %add3A_194 : i32 to index
      %get3A_196 = tpu.vector_load %arg6[%get3A_195] {strides = array<i32>} : memref<25600xf32, #tpu.memory_space<vmem>>, vector<16xf32>,
      %get3A_197 = vector.shape_cast %get3A_196 : vector<16xf32> to vector<16xf32>
      %add3A_198 = arith.addf %scan3A_172, %get3A_197 : vector<16xf32>
      %add3A_199 = arith.constant 48 : i32
      %add3A_200 = arith.addi %add3A_181, %add3A_199 : i32
      %get3A_201 = arith.index_cast %add3A_200 : i32 to index
      %get3A_202 = tpu.vector_load %arg6[%get3A_201] {strides = array<i32>} : memref<25600xf32, #tpu.memory_space<vmem>>, vector<16xf32>,
      %get3A_203 = vector.shape_cast %get3A_202 : vector<16xf32> to vector<16xf32>
      %add3A_204 = arith.addf %scan3A_173, %get3A_203 : vector<16xf32>
      %add3A_205 = arith.constant 64 : i32
      %add3A_206 = arith.addi %add3A_181, %add3A_205 : i32
      %get3A_207 = arith.index_cast %add3A_206 : i32 to index
      %get3A_208 = tpu.vector_load %arg6[%get3A_207] {strides = array<i32>} : memref<25600xf32, #tpu.memory_space<vmem>>, vector<16xf32>,
      %get3A_209 = vector.shape_cast %get3A_208 : vector<16xf32> to vector<16xf32>
      %add3A_210 = arith.addf %scan3A_174, %get3A_209 : vector<16xf32>
      %add3A_211 = arith.constant 80 : i32
      %add3A_212 = arith.addi %add3A_181, %add3A_211 : i32
      %get3A_213 = arith.index_cast %add3A_212 : i32 to index
      %get3A_214 = tpu.vector_load %arg6[%get3A_213] {strides = array<i32>} : memref<25600xf32, #tpu.memory_space<vmem>>, vector<16xf32>,
      %get3A_215 = vector.shape_cast %get3A_214 : vector<16xf32> to vector<16xf32>
      %add3A_216 = arith.addf %scan3A_175, %get3A_215 : vector<16xf32>
      %add3A_217 = arith.constant 96 : i32
      %add3A_218 = arith.addi %add3A_181, %add3A_217 : i32
      %get3A_219 = arith.index_cast %add3A_218 : i32 to index
      %get3A_220 = tpu.vector_load %arg6[%get3A_219] {strides = array<i32>} : memref<25600xf32, #tpu.memory_space<vmem>>, vector<16xf32>,
      %get3A_221 = vector.shape_cast %get3A_220 : vector<16xf32> to vector<16xf32>
      %add3A_222 = arith.addf %scan3A_176, %get3A_221 : vector<16xf32>
      %add3A_223 = arith.constant 112 : i32
      %add3A_224 = arith.addi %add3A_181, %add3A_223 : i32
      %get3A_225 = arith.index_cast %add3A_224 : i32 to index
      %get3A_226 = tpu.vector_load %arg6[%get3A_225] {strides = array<i32>} : memref<25600xf32, #tpu.memory_space<vmem>>, vector<16xf32>,
      %get3A_227 = vector.shape_cast %get3A_226 : vector<16xf32> to vector<16xf32>
      %add3A_228 = arith.addf %scan3A_177, %get3A_227 : vector<16xf32>
      scf.yield %add3A_186, %add3A_192, %add3A_198, %add3A_204, %add3A_210, %add3A_216, %add3A_222, %add3A_228 : vector<16xf32>, vector<16xf32>, vector<16xf32>, vector<16xf32>, vector<16xf32>, vector<16xf32>, vector<16xf32>, vector<16xf32>
    }
    %scan3A_58 = arith.constant 100 : i32
    %neg3A = arith.constant 0.000000e+00 : f32
    %neg3A_59 = vector.broadcast %neg3A : f32 to vector<16xf32>
    %neg3A_60 = arith.subf %neg3A_59, %scan3A_57#0 : vector<16xf32>
    %exp3A = math.exp %neg3A_60 : vector<16xf32>
    %add3A_61 = arith.constant 1.000000e+00 : f32
    %add3A_62 = vector.broadcast %add3A_61 : f32 to vector<16xf32>
    %add3A_63 = arith.addf %add3A_62, %exp3A : vector<16xf32>
    %div3A = arith.constant 1.000000e+00 : f32
    %div3A_64 = vector.broadcast %div3A : f32 to vector<16xf32>
    %div3A_65 = arith.divf %div3A_64, %add3A_63 : vector<16xf32>
    %swap3A = arith.constant 0 : index
    %swap3A_66 = tpu.vector_load %arg7[%swap3A] {strides = array<i32>} : memref<128xf32, #tpu.memory_space<vmem>>, vector<16xf32>,
    %swap3A_67 = vector.shape_cast %swap3A_66 : vector<16xf32> to vector<16xf32>
    %swap3A_68 = vector.shape_cast %div3A_65 : vector<16xf32> to vector<16xf32>
    tpu.vector_store %arg7[%swap3A], %swap3A_68 {strides = array<i32>} : memref<128xf32, #tpu.memory_space<vmem>>, vector<16xf32>,
    %neg3A_69 = arith.constant 0.000000e+00 : f32
    %neg3A_70 = vector.broadcast %neg3A_69 : f32 to vector<16xf32>
    %neg3A_71 = arith.subf %neg3A_70, %scan3A_57#1 : vector<16xf32>
    %exp3A_72 = math.exp %neg3A_71 : vector<16xf32>
    %add3A_73 = arith.constant 1.000000e+00 : f32
    %add3A_74 = vector.broadcast %add3A_73 : f32 to vector<16xf32>
    %add3A_75 = arith.addf %add3A_74, %exp3A_72 : vector<16xf32>
    %div3A_76 = arith.constant 1.000000e+00 : f32
    %div3A_77 = vector.broadcast %div3A_76 : f32 to vector<16xf32>
    %div3A_78 = arith.divf %div3A_77, %add3A_75 : vector<16xf32>
    %swap3A_79 = arith.constant 16 : index
    %swap3A_80 = tpu.vector_load %arg7[%swap3A_79] {strides = array<i32>} : memref<128xf32, #tpu.memory_space<vmem>>, vector<16xf32>,
    %swap3A_81 = vector.shape_cast %swap3A_80 : vector<16xf32> to vector<16xf32>
    %swap3A_82 = vector.shape_cast %div3A_78 : vector<16xf32> to vector<16xf32>
    tpu.vector_store %arg7[%swap3A_79], %swap3A_82 {strides = array<i32>} : memref<128xf32, #tpu.memory_space<vmem>>, vector<16xf32>,
    %neg3A_83 = arith.constant 0.000000e+00 : f32
    %neg3A_84 = vector.broadcast %neg3A_83 : f32 to vector<16xf32>
    %neg3A_85 = arith.subf %neg3A_84, %scan3A_57#2 : vector<16xf32>
    %exp3A_86 = math.exp %neg3A_85 : vector<16xf32>
    %add3A_87 = arith.constant 1.000000e+00 : f32
    %add3A_88 = vector.broadcast %add3A_87 : f32 to vector<16xf32>
    %add3A_89 = arith.addf %add3A_88, %exp3A_86 : vector<16xf32>
    %div3A_90 = arith.constant 1.000000e+00 : f32
    %div3A_91 = vector.broadcast %div3A_90 : f32 to vector<16xf32>
    %div3A_92 = arith.divf %div3A_91, %add3A_89 : vector<16xf32>
    %swap3A_93 = arith.constant 32 : index
    %swap3A_94 = tpu.vector_load %arg7[%swap3A_93] {strides = array<i32>} : memref<128xf32, #tpu.memory_space<vmem>>, vector<16xf32>,
    %swap3A_95 = vector.shape_cast %swap3A_94 : vector<16xf32> to vector<16xf32>
    %swap3A_96 = vector.shape_cast %div3A_92 : vector<16xf32> to vector<16xf32>
    tpu.vector_store %arg7[%swap3A_93], %swap3A_96 {strides = array<i32>} : memref<128xf32, #tpu.memory_space<vmem>>, vector<16xf32>,
    %neg3A_97 = arith.constant 0.000000e+00 : f32
    %neg3A_98 = vector.broadcast %neg3A_97 : f32 to vector<16xf32>
    %neg3A_99 = arith.subf %neg3A_98, %scan3A_57#3 : vector<16xf32>
    %exp3A_100 = math.exp %neg3A_99 : vector<16xf32>
    %add3A_101 = arith.constant 1.000000e+00 : f32
    %add3A_102 = vector.broadcast %add3A_101 : f32 to vector<16xf32>
    %add3A_103 = arith.addf %add3A_102, %exp3A_100 : vector<16xf32>
    %div3A_104 = arith.constant 1.000000e+00 : f32
    %div3A_105 = vector.broadcast %div3A_104 : f32 to vector<16xf32>
    %div3A_106 = arith.divf %div3A_105, %add3A_103 : vector<16xf32>
    %swap3A_107 = arith.constant 48 : index
    %swap3A_108 = tpu.vector_load %arg7[%swap3A_107] {strides = array<i32>} : memref<128xf32, #tpu.memory_space<vmem>>, vector<16xf32>,
    %swap3A_109 = vector.shape_cast %swap3A_108 : vector<16xf32> to vector<16xf32>
    %swap3A_110 = vector.shape_cast %div3A_106 : vector<16xf32> to vector<16xf32>
    tpu.vector_store %arg7[%swap3A_107], %swap3A_110 {strides = array<i32>} : memref<128xf32, #tpu.memory_space<vmem>>, vector<16xf32>,
    %neg3A_111 = arith.constant 0.000000e+00 : f32
    %neg3A_112 = vector.broadcast %neg3A_111 : f32 to vector<16xf32>
    %neg3A_113 = arith.subf %neg3A_112, %scan3A_57#4 : vector<16xf32>
    %exp3A_114 = math.exp %neg3A_113 : vector<16xf32>
    %add3A_115 = arith.constant 1.000000e+00 : f32
    %add3A_116 = vector.broadcast %add3A_115 : f32 to vector<16xf32>
    %add3A_117 = arith.addf %add3A_116, %exp3A_114 : vector<16xf32>
    %div3A_118 = arith.constant 1.000000e+00 : f32
    %div3A_119 = vector.broadcast %div3A_118 : f32 to vector<16xf32>
    %div3A_120 = arith.divf %div3A_119, %add3A_117 : vector<16xf32>
    %swap3A_121 = arith.constant 64 : index
    %swap3A_122 = tpu.vector_load %arg7[%swap3A_121] {strides = array<i32>} : memref<128xf32, #tpu.memory_space<vmem>>, vector<16xf32>,
    %swap3A_123 = vector.shape_cast %swap3A_122 : vector<16xf32> to vector<16xf32>
    %swap3A_124 = vector.shape_cast %div3A_120 : vector<16xf32> to vector<16xf32>
    tpu.vector_store %arg7[%swap3A_121], %swap3A_124 {strides = array<i32>} : memref<128xf32, #tpu.memory_space<vmem>>, vector<16xf32>,
    %neg3A_125 = arith.constant 0.000000e+00 : f32
    %neg3A_126 = vector.broadcast %neg3A_125 : f32 to vector<16xf32>
    %neg3A_127 = arith.subf %neg3A_126, %scan3A_57#5 : vector<16xf32>
    %exp3A_128 = math.exp %neg3A_127 : vector<16xf32>
    %add3A_129 = arith.constant 1.000000e+00 : f32
    %add3A_130 = vector.broadcast %add3A_129 : f32 to vector<16xf32>
    %add3A_131 = arith.addf %add3A_130, %exp3A_128 : vector<16xf32>
    %div3A_132 = arith.constant 1.000000e+00 : f32
    %div3A_133 = vector.broadcast %div3A_132 : f32 to vector<16xf32>
    %div3A_134 = arith.divf %div3A_133, %add3A_131 : vector<16xf32>
    %swap3A_135 = arith.constant 80 : index
    %swap3A_136 = tpu.vector_load %arg7[%swap3A_135] {strides = array<i32>} : memref<128xf32, #tpu.memory_space<vmem>>, vector<16xf32>,
    %swap3A_137 = vector.shape_cast %swap3A_136 : vector<16xf32> to vector<16xf32>
    %swap3A_138 = vector.shape_cast %div3A_134 : vector<16xf32> to vector<16xf32>
    tpu.vector_store %arg7[%swap3A_135], %swap3A_138 {strides = array<i32>} : memref<128xf32, #tpu.memory_space<vmem>>, vector<16xf32>,
    %neg3A_139 = arith.constant 0.000000e+00 : f32
    %neg3A_140 = vector.broadcast %neg3A_139 : f32 to vector<16xf32>
    %neg3A_141 = arith.subf %neg3A_140, %scan3A_57#6 : vector<16xf32>
    %exp3A_142 = math.exp %neg3A_141 : vector<16xf32>
    %add3A_143 = arith.constant 1.000000e+00 : f32
    %add3A_144 = vector.broadcast %add3A_143 : f32 to vector<16xf32>
    %add3A_145 = arith.addf %add3A_144, %exp3A_142 : vector<16xf32>
    %div3A_146 = arith.constant 1.000000e+00 : f32
    %div3A_147 = vector.broadcast %div3A_146 : f32 to vector<16xf32>
    %div3A_148 = arith.divf %div3A_147, %add3A_145 : vector<16xf32>
    %swap3A_149 = arith.constant 96 : index
    %swap3A_150 = tpu.vector_load %arg7[%swap3A_149] {strides = array<i32>} : memref<128xf32, #tpu.memory_space<vmem>>, vector<16xf32>,
    %swap3A_151 = vector.shape_cast %swap3A_150 : vector<16xf32> to vector<16xf32>
    %swap3A_152 = vector.shape_cast %div3A_148 : vector<16xf32> to vector<16xf32>
    tpu.vector_store %arg7[%swap3A_149], %swap3A_152 {strides = array<i32>} : memref<128xf32, #tpu.memory_space<vmem>>, vector<16xf32>,
    %neg3A_153 = arith.constant 0.000000e+00 : f32
    %neg3A_154 = vector.broadcast %neg3A_153 : f32 to vector<16xf32>
    %neg3A_155 = arith.subf %neg3A_154, %scan3A_57#7 : vector<16xf32>
    %exp3A_156 = math.exp %neg3A_155 : vector<16xf32>
    %add3A_157 = arith.constant 1.000000e+00 : f32
    %add3A_158 = vector.broadcast %add3A_157 : f32 to vector<16xf32>
    %add3A_159 = arith.addf %add3A_158, %exp3A_156 : vector<16xf32>
    %div3A_160 = arith.constant 1.000000e+00 : f32
    %div3A_161 = vector.broadcast %div3A_160 : f32 to vector<16xf32>
    %div3A_162 = arith.divf %div3A_161, %add3A_159 : vector<16xf32>
    %swap3A_163 = arith.constant 112 : index
    %swap3A_164 = tpu.vector_load %arg7[%swap3A_163] {strides = array<i32>} : memref<128xf32, #tpu.memory_space<vmem>>, vector<16xf32>,
    %swap3A_165 = vector.shape_cast %swap3A_164 : vector<16xf32> to vector<16xf32>
    %swap3A_166 = vector.shape_cast %div3A_162 : vector<16xf32> to vector<16xf32>
    tpu.vector_store %arg7[%swap3A_163], %swap3A_166 {strides = array<i32>} : memref<128xf32, #tpu.memory_space<vmem>>, vector<16xf32>,
    %mul3A_167 = arith.constant 128 : i32
    %mul3A_168 = arith.muli %add3A, %mul3A_167 : i32
    "tpu.region"() ({
      %run_scoped3A = tpu.sem_alloc : memref<!tpu.dma_semaphore, #tpu.memory_space<semaphore_mem>>
      %dma_start3A_169 = tpu.memref_slice %arg4[%mul3A_168] : memref<4096xf32, #tpu.memory_space<hbm>> -> memref<128xf32, #tpu.memory_space<hbm>>
      %dma_start3A_170 = tpu.memref_slice %arg4[%mul3A_168] : memref<4096xf32, #tpu.memory_space<hbm>> -> memref<128xf32, #tpu.memory_space<hbm>>
      tpu.enqueue_dma source(%arg7 : memref<128xf32, #tpu.memory_space<vmem>>) target(%dma_start3A_170 : memref<128xf32, #tpu.memory_space<hbm>>) target_semaphore(%run_scoped3A : memref<!tpu.dma_semaphore, #tpu.memory_space<semaphore_mem>>)
      %dma_wait3A_171 = tpu.memref_slice %arg4[%mul3A_168] : memref<4096xf32, #tpu.memory_space<hbm>> -> memref<128xf32, #tpu.memory_space<hbm>>
      %dma_wait3A_172 = tpu.memref_slice %arg4[%mul3A_168] : memref<4096xf32, #tpu.memory_space<hbm>> -> memref<128xf32, #tpu.memory_space<hbm>>
      tpu.wait_dma2 semaphore(%run_scoped3A : memref<!tpu.dma_semaphore, #tpu.memory_space<semaphore_mem>>) src(%arg7 : memref<128xf32, #tpu.memory_space<vmem>>) dst(%dma_wait3A_172 : memref<128xf32, #tpu.memory_space<hbm>>)
      tpu.yield
    }) : () -> ()
    return
  }
}

module attributes {stable_mosaic.version = 14 : i64} {
  func.func @_rowdot_body(%arg0: i32, %arg1: memref<64x31360xf32, #tpu.memory_space<vmem>>, %arg2: memref<1x64xf32, #tpu.memory_space<vmem>>, %arg3: memref<1xf32, #tpu.memory_space<smem>>, %arg4: memref<200x128xi32, #tpu.memory_space<vmem>>, %arg5: memref<1x1x31360xf32, #tpu.memory_space<vmem>>, %arg6: memref<1x200x128xi32, #tpu.memory_space<vmem>>) attributes {dimension_semantics = [#tpu.dimension_semantics<arbitrary>], iteration_bounds = array<i64: 32>, scalar_prefetch = 0 : i64, scratch_operands = 0 : i64, tpu.core_type = #tpu.core_type<tc>, window_params = [{transform_indices = @transform_0, window_bounds = array<i64: 64, 31360>}, {pipeline_mode = #tpu.pipeline_mode<synchronous>, transform_indices = @transform_1, window_bounds = array<i64: 1, 64>}, {transform_indices = @transform_2, window_bounds = array<i64: 1>}, {transform_indices = @transform_3, window_bounds = array<i64: 200, 128>}, {transform_indices = @transform_4, window_bounds = array<i64: 1, 1, 31360>}, {transform_indices = @transform_5, window_bounds = array<i64: 1, 200, 128>}]} {
    %get3A = arith.constant 0 : index
    %get3A_0 = arith.constant 0 : index
    %get3A_1 = vector.load %arg1[%get3A, %get3A_0] : memref<64x31360xf32, #tpu.memory_space<vmem>>, vector<64x31360xf32>
    %get3A_2 = arith.constant 0 : index
    %get3A_3 = arith.constant 0 : index
    %get3A_4 = vector.load %arg2[%get3A_2, %get3A_3] : memref<1x64xf32, #tpu.memory_space<vmem>>, vector<1x64xf32>
    %broadcast_in_dim3A = vector.shape_cast %get3A_4 : vector<1x64xf32> to vector<1x64xf32>
    %broadcast_in_dim3A_5 = vector.broadcast %broadcast_in_dim3A : vector<1x64xf32> to vector<8x64xf32>
    %dot_general3A = arith.constant dense<0.000000e+00> : vector<8x31360xf32>
    %dot_general3A_6 = tpu.matmul %broadcast_in_dim3A_5, %get3A_1, %dot_general3A {dimension_numbers = #tpu.dot_dimension_numbers<[1], [0], [0], [1], [0, 0, 1, 1], [], []>, transpose_lhs_hint = false} : vector<8x64xf32>, vector<64x31360xf32>, vector<8x31360xf32> -> vector<8x31360xf32>
    %slice3A = vector.extract_strided_slice %dot_general3A_6 {offsets = [0, 0], sizes = [1, 31360], strides = [1, 1]} : vector<8x31360xf32> to vector<1x31360xf32>
    %get3A_7 = arith.constant 0 : index
    %get3A_8 = memref.load %arg3[%get3A_7] : memref<1xf32, #tpu.memory_space<smem>>
    %add3A = vector.broadcast %get3A_8 : f32 to vector<1x31360xf32>
    %add3A_9 = arith.addf %slice3A, %add3A : vector<1x31360xf32>
    %mul3A = arith.constant 5.000000e-03 : f32
    %mul3A_10 = vector.broadcast %mul3A : f32 to vector<1x31360xf32>
    %mul3A_11 = arith.mulf %add3A_9, %mul3A_10 : vector<1x31360xf32>
    %broadcast_in_dim3A_12 = vector.shape_cast %mul3A_11 : vector<1x31360xf32> to vector<1x1x31360xf32>
    %swap3A = arith.constant 0 : index
    %swap3A_13 = arith.constant 0 : index
    %swap3A_14 = arith.constant 0 : index
    %swap3A_15 = vector.load %arg5[%swap3A, %swap3A_13, %swap3A_14] : memref<1x1x31360xf32, #tpu.memory_space<vmem>>, vector<1x1x31360xf32>
    tpu.vector_store %arg5[%swap3A, %swap3A_13, %swap3A_14], %broadcast_in_dim3A_12 {strides = array<i32>} : memref<1x1x31360xf32, #tpu.memory_space<vmem>>, vector<1x1x31360xf32>,
    %get3A_16 = arith.constant 0 : index
    %get3A_17 = arith.constant 0 : index
    %get3A_18 = vector.load %arg4[%get3A_16, %get3A_17] : memref<200x128xi32, #tpu.memory_space<vmem>>, vector<200x128xi32>
    %broadcast_in_dim3A_19 = vector.shape_cast %get3A_18 : vector<200x128xi32> to vector<1x200x128xi32>
    %swap3A_20 = arith.constant 0 : index
    %swap3A_21 = arith.constant 0 : index
    %swap3A_22 = arith.constant 0 : index
    %swap3A_23 = vector.load %arg6[%swap3A_20, %swap3A_21, %swap3A_22] : memref<1x200x128xi32, #tpu.memory_space<vmem>>, vector<1x200x128xi32>
    tpu.vector_store %arg6[%swap3A_20, %swap3A_21, %swap3A_22], %broadcast_in_dim3A_19 {strides = array<i32>} : memref<1x200x128xi32, #tpu.memory_space<vmem>>, vector<1x200x128xi32>,
    return
  }
  func.func @transform_0(%arg0: i32) -> (i32, i32) {
    %min3A = arith.constant 31 : i32
    %min3A_0 = arith.minsi %arg0, %min3A : i32
    %c0_i32 = arith.constant 0 : i32
    %c0_i32_1 = arith.constant 0 : i32
    return %c0_i32, %min3A_0 : i32, i32
  }
  func.func @transform_1(%arg0: i32) -> (i32, i32) {
    %c0_i32 = arith.constant 0 : i32
    %c0_i32_0 = arith.constant 0 : i32
    %c0_i32_1 = arith.constant 0 : i32
    return %c0_i32, %c0_i32_0 : i32, i32
  }
  func.func @transform_2(%arg0: i32) -> i32 {
    %c0_i32 = arith.constant 0 : i32
    %c0_i32_0 = arith.constant 0 : i32
    return %c0_i32 : i32
  }
  func.func @transform_3(%arg0: i32) -> (i32, i32) {
    %min3A = arith.constant 31 : i32
    %min3A_0 = arith.minsi %arg0, %min3A : i32
    %c0_i32 = arith.constant 0 : i32
    %c0_i32_1 = arith.constant 0 : i32
    return %c0_i32, %min3A_0 : i32, i32
  }
  func.func @transform_4(%arg0: i32) -> (i32, i32, i32) {
    %min3A = arith.constant 31 : i32
    %min3A_0 = arith.minsi %arg0, %min3A : i32
    %c0_i32 = arith.constant 0 : i32
    %c0_i32_1 = arith.constant 0 : i32
    %c0_i32_2 = arith.constant 0 : i32
    return %min3A_0, %c0_i32, %c0_i32_1 : i32, i32, i32
  }
  func.func @transform_5(%arg0: i32) -> (i32, i32, i32) {
    %min3A = arith.constant 31 : i32
    %min3A_0 = arith.minsi %arg0, %min3A : i32
    %c0_i32 = arith.constant 0 : i32
    %c0_i32_1 = arith.constant 0 : i32
    %c0_i32_2 = arith.constant 0 : i32
    return %min3A_0, %c0_i32, %c0_i32_1 : i32, i32, i32
  }
}

</mosaic_0001>

<sc_bundles>
// kernel: kernel.4.cloned.1.call-start
scs
__scs_entry_jumppad:
0x0: {  	(pc) =	sbr.rel $0x88, $3  }
0x1: {  	(tag) =	ssettag $0x0;
	lr =	simm.s32 $0x1  }
0x2: {  	[smem:$0x3F9D] =	sst lr;
	_ =	strace $0xD0000000  }
0x3: {  	_ = 	snop  }
0x4: {  	_ = 	snop  }
0x5: {  	_ = 	snop  }
0x6: {  	_ = 	snop  }
0x7: {  	_ = 	snop  }
__scs_overlays_trampoline_lowered:
0x8: {  	[smem:$0x3FAC] =	sst s0  }
0x9: {  	[smem:$0x3FAD] =	sst s1  }
0xa: {  	[smem:$0x3FAE] =	sst s2  }
0xb: {  	[smem:$0x3FAF] =	sst s3  }
0xc: {  	[smem:$0x3FB0] =	sst s4  }
0xd: {  	[smem:$0x3FB1] =	sst s5  }
0xe: {  	[smem:$0x3FB2] =	sst s6  }
0xf: {  	[smem:$0x3FB3] =	sst s7  }
0x10: {  	[smem:$0x3FB4] =	sst s8  }
0x11: {  	[smem:$0x3FB5] =	sst s9;
	s0 =	simm.s32 @!p0 $0x0  }
0x12: {  	s1 =	sld [smem:$0x3F9B];
	s0 =	simm.s32 @p0 $0x1  }
0x13: {  	[smem:$0x3FB6] =	sst s0;
	s0 =	simm.s32 @!p1 $0x0  }
0x14: {  	s2 =	sld [smem:$0x3F9A];
	s0 =	simm.s32 @p1 $0x1  }
0x15: {  	[smem:$0x3FB7] =	sst s0;
	s0 =	simm.s32 @!p2 $0x0  }
0x16: {  	s3 =	sld [smem:$0x3FDB];
	s0 =	simm.s32 @p2 $0x1  }
0x17: {  	s4 =	simm.s32 $0x1BF5;
	[smem:$0x3FB9] =	sst s0  }
0x18: {  	s0 =	sld [smem:$0x3F9C];
	_ =	swait.ge [sflag:s4], $0x0  }
0x19: {  	s7 =	sld [smem:$0x3F9D]  }
0x1a: {  	s8 =	sadd.s32 $0xFFFFE003, lr  }
0x1b: {  	s9 =	sadd.s32 $0xFFFFFEF7, lr;
	s5 =	simm.s32 $0xFFFFFFFF;
	p2 =	slt.u32 s8, $0xFFFFF086  }
0x1c: {  	p1 =	slt.u32 s9, $0xF7A;
	s5 =	simm.s32 @!p2 $0x0  }
0x1d: {  	s5 =	simm.s32 @p1 $0x1;
	p0 =	seq.s32 s7, s2  }
0x1e: {  	s7 =	smul.u32 @!p0 $0xF7A, s2;
	p2 =	seq.s32 @!p0 s5, $0x0  }
0x1f: {  	s9 =	smul.u32 $0xF7A, s1;
	s8 =	simm.s32 @!p0 $0x1BF5;
	p2 =	por !p2, p0  }
0x20: {  	[sflag:s8] =	ssyncset.s32 @!p0 $0xFFFFF086;
	s6 =	sadd.s32 @!p0 s3, s7;
	s7 =	simm.s32 @!p0 $0x108  }
0x21: {  	s3 =	sadd.s32 s3, s9;
	s6 =	sadd.s32 @!p0 $0x88, s6;
	s7 =	simm.s32 @p2 $0x1082  }
0x22: {  	[simem:s7], [sflag:s8] =	dma.local @!p0 [hbm:s6], $0xF7A  }
0x23: {  	s9 =	sor.u32 $0xD0000000, s2;
	s6 =	simm.s32 $0x108;
	_ =	swait.ge @!p0 [sflag:s8], $0x0  }
0x24: {  	s3 =	sadd.s32 $0x88, s3;
	s6 =	simm.s32 @!p1 $0x1082;
	[sflag:s4] =	ssyncset.s32 $0xFFFFF086  }
0x25: {  	[simem:s6], [sflag:s4] =	dma.local [hbm:s3], $0xF7A  }
0x26: {  	[smem:$0x3F9D] =	sst s1;
	(tag) =	ssettag s2;
	_ =	strace s9  }
0x27: {  	s1 =	sld [smem:$0x3FAD]  }
0x28: {  	s2 =	sld [smem:$0x3FAE]  }
0x29: {  	s4 =	sld [smem:$0x3FB0]  }
0x2a: {  	p0 =	seq.s32 s5, $0x0;
	s5 =	sld [smem:$0x3FB1]  }
0x2b: {  	s6 =	sld [smem:$0x3FB2]  }
0x2c: {  	s7 =	sld [smem:$0x3FB3]  }
0x2d: {  	s3 =	simm.s32 $0x108;
	s8 =	sld [smem:$0x3FB4]  }
0x2e: {  	s3 =	simm.s32 @!p0 $0x1082;
	s9 =	sld [smem:$0x3FB5]  }
0x2f: {  	lr =	sadd.s32 s0, s3;
	s0 =	sld [smem:$0x3FAC]  }
0x30: {  	s3 =	sld [smem:$0x3FAF]  }
0x31: {  	[smem:$0x3FB8] =	sst s10  }
0x32: {  	s10 =	sld [smem:$0x3FB6];
	_ =	sdelay $0x3  }
0x33: {  	p0 =	seq.s32 s10, $0x1;
	s10 =	sld [smem:$0x3FB8];
	_ =	sdelay $0x3  }
0x34: {  	[smem:$0x3FB8] =	sst s10  }
0x35: {  	s10 =	sld [smem:$0x3FB7];
	_ =	sdelay $0x3  }
0x36: {  	p1 =	seq.s32 s10, $0x1;
	s10 =	sld [smem:$0x3FB8];
	_ =	sdelay $0x3  }
0x37: {  	[smem:$0x3FB8] =	sst s10  }
0x38: {  	s10 =	sld [smem:$0x3FB9]  }
0x39: {  	_ = 	snop;
	(pc) =	sbr.ind lr, $3  }
0x3a: {  	_ = 	snop  }
0x3b: {  	_ = 	snop  }
0x3c: {  	p2 =	seq.s32 s10, $0x1;
	s10 =	sld [smem:$0x3FB8]  }
0x3d: {  	_ =	shalt  }
0x3e: {  	_ =	shalt  }
0x3f: {  	_ =	shalt  }
0x40: {  	_ =	shalt  }
0x41: {  	_ =	shalt  }
0x42: {  	_ =	shalt  }
0x43: {  	_ =	shalt  }
0x44: {  	_ =	shalt  }
0x45: {  	_ =	shalt  }
0x46: {  	_ =	shalt  }
0x47: {  	_ =	shalt  }
0x48: {  	_ =	shalt  }
0x49: {  	_ =	shalt  }
0x4a: {  	_ =	shalt  }
0x4b: {  	_ =	shalt  }
0x4c: {  	_ =	shalt  }
0x4d: {  	_ =	shalt  }
0x4e: {  	_ =	shalt  }
0x4f: {  	_ =	shalt  }
0x50: {  	_ =	shalt  }
0x51: {  	_ =	shalt  }
0x52: {  	_ =	shalt  }
0x53: {  	_ =	shalt  }
0x54: {  	_ =	shalt  }
0x55: {  	_ =	shalt  }
0x56: {  	_ =	shalt  }
0x57: {  	_ =	shalt  }
0x58: {  	_ =	shalt  }
0x59: {  	_ =	shalt  }
0x5a: {  	_ =	shalt  }
0x5b: {  	_ =	shalt  }
0x5c: {  	_ =	shalt  }
0x5d: {  	_ =	shalt  }
0x5e: {  	_ =	shalt  }
0x5f: {  	_ =	shalt  }
0x60: {  	_ =	shalt  }
0x61: {  	_ =	shalt  }
0x62: {  	_ =	shalt  }
0x63: {  	_ =	shalt  }
0x64: {  	_ =	shalt  }
0x65: {  	_ =	shalt  }
0x66: {  	_ =	shalt  }
0x67: {  	_ =	shalt  }
0x68: {  	_ =	shalt  }
0x69: {  	_ =	shalt  }
0x6a: {  	_ =	shalt  }
0x6b: {  	_ =	shalt  }
0x6c: {  	_ =	shalt  }
0x6d: {  	_ =	shalt  }
0x6e: {  	_ =	shalt  }
0x6f: {  	_ =	shalt  }
0x70: {  	_ =	shalt  }
0x71: {  	_ =	shalt  }
0x72: {  	_ =	shalt  }
0x73: {  	_ =	shalt  }
0x74: {  	_ =	shalt  }
0x75: {  	_ =	shalt  }
0x76: {  	_ =	shalt  }
0x77: {  	_ =	shalt  }
0x78: {  	_ =	shalt  }
0x79: {  	_ =	shalt  }
0x7a: {  	_ =	shalt  }
0x7b: {  	_ =	shalt  }
0x7c: {  	_ =	shalt  }
0x7d: {  	_ =	shalt  }
0x7e: {  	_ =	shalt  }
0x7f: {  	_ =	shalt  }
0x80: {  	_ =	shalt  }
0x81: {  	_ =	shalt  }
0x82: {  	_ =	shalt  }
0x83: {  	_ =	shalt  }
0x84: {  	_ =	shalt  }
0x85: {  	_ =	shalt  }
0x86: {  	_ =	shalt  }
0x87: {  	_ =	shalt  }
.Lfunc_end0:
.L_simem_size_0:
called_computation_lowered:
.L_overlay_start_0:
0x88: {  	s2 =	sld [smem:$0x3FD9]  }
0x89: {  	s3 =	sld [smem:$0x3FFE];
	_ =	sdelay $0x1  }
0x8a: {  	s1 =	srdreg.scid  }
0x8b: {  	s0 =	sand.u32 $0x1, s1  }
0x8c: {  	s17 =	sshll.u32 s0, $0xA;
	s2 =	sadd.s32 s3, s2  }
0x8d: {  	s2 =	sadd.s32 s2, s17  }
0x8e: {  	[smem:$0x3FC4] =	sst s2  }
0x8f: {  	_ = 	snop  }
0x90: {  	s2 =	sld [smem:$0x3FD0];
	(tm) =	ssettm $0x1  }
0x91: {  	s18 =	sld [smem:$0x3FFB];
	_ =	sdelay $0x3  }
0x92: {  	_ =	strace s18  }
0x93: {  	s3 =	sld [smem:$0x3FFC];
	_ =	sdelay $0x3  }
0x94: {  	_ =	strace s3  }
0x95: {  	s3 =	sld [smem:$0x3FFD];
	_ =	sdelay $0x3  }
0x96: {  	_ =	strace s3  }
0x97: {  	_ =	strace $0x8FFFFFFF  }
0x98: {  	s19 =	sld [smem:$0x3FDB];
	_ =	sdelay $0x1  }
0x99: {  	s4 =	simm.s32 $_scs_section_size  }
0x9a: {  	s5 =	simm.s32 $_size__tile_overlayer_lowered;
	s6 =	simm.s32 $_tile_overlayer_lowered  }
0x9b: {  	s22 =	simm.s32 $0x1BFF;
	s21 =	sshll.u32 s6, $0x1;
	s3 =	sadd.s32 s4, s19  }
0x9c: {  	s7 =	simm.s32 $0x0;
	s20 =	sshll.u32 s5, $0x1;
	s5 =	sadd.s32 s21, s3  }
0x9d: {  	[timem:s7], [sflag:s22] =	dma.local [hbm:s5], s20  }
0x9e: {  	_ =	swait.ge [sflag:s22], s20  }
0x9f: {  	s4 =	ssub.s32 $0x0, s20;
	[sflag:s22] =	ssyncset.done $0x0  }
0xa0: {  	[sflag:s22] =	ssyncadd.s32 s4;
	_ =	sdelay $0x1  }
0xa1: {  	s23 =	simm.s32 $0x1B8B  }
0xa2: {  	_ =	swait.ge [sflag:s23], $0x1  }
0xa3: {  	[sflag:s23] =	ssyncset.done $0x0  }
0xa4: {  	s25 =	simm.s32 $0x1B8E;
	s24 =	sld [smem:$0x3FFE];
	[sflag:s23] =	ssyncadd.s32 $0xFFFFFFFF  }
0xa5: {  	s26 =	simm.s32 $execute0_lowered;
	[smem:$0x3FD2] =	sst s25  }
0xa6: {  	s5 =	sshll.u32 s26, $0x1;
	_ =	strace $0x80000046;
	[dreg:$0x1] =	wrdreg $0xFFFFFFFF  }
0xa7: {  	s28 =	simm.s32 $_size_execute0_lowered;
	s3 =	sadd.s32 s3, s5;
	[dreg:$0x0] =	wrdreg $0x0  }
0xa8: {  	s5 =	sshll.u32 s28, $0x1;
	[dreg:$0x2] =	wrdreg s3  }
0xa9: {  	[dreg:$0x3] =	wrdreg s5  }
0xaa: {  	[dreg:$0x4] =	wrdreg $0xC0  }
0xab: {  	_ =	task [dreg:s7], $0x5FFFF  }
0xac: {  	[dreg:$0x1] =	wrdreg $0xFFFFFFFF  }
0xad: {  	[dreg:$0x0] =	wrdreg $0x60  }
0xae: {  	[dreg:$0x2] =	wrdreg s24  }
0xaf: {  	[dreg:$0x3] =	wrdreg s2  }
0xb0: {  	[dreg:$0x4] =	wrdreg $0xC8800  }
0xb1: {  	[dreg:$0x5] =	wrdreg $0x9  }
0xb2: {  	_ =	task.clear_ibuf [dreg:s7], $0x6FFFF;
	_ =	strace $0x90000046  }
0xb3: {  	s29 =	simm.s32 $0x9;
	_ =	strace $0x80000048  }
0xb4: {  	_ =	swait.ge [sflag:s29], $0x1  }
0xb5: {  	[sflag:s29] =	ssyncadd.s32 $0xFFFFFFFF  }
0xb6: {  	_ =	strace $0x90000048  }
0xb7: {  	_ =	sfence  }
0xb8: {  	s30 =	sld [smem:$0x0];
	_ =	sdelay $0x2  }
0xb9: {  	s31 =	sshll.u32 s1, $0xD;
	s1 =	sshrl.u32 s1, $0x2  }
0xba: {  	s3 =	sand.u32 $0x4000, s31;
	s1 =	sadd.s32 s1, s30  }
0xbb: {  	s0 =	sor.u32 s3, s0;
	s1 =	sshll.u32 s1, $0x11  }
0xbc: {  	s0 =	sor.u32 s1, s0  }
0xbd: {  	s0 =	sadd.s32 $0x8F2B, s0  }
0xbe: {  	[sflag:s0] =	ssyncadd.remote.s32 $0x1  }
0xbf: {  	_ =	sfence.sel $0xFFFF  }
0xc0: {  	[dreg:$0x0] =	wrdreg $0xFFFFFFFF;
	(pc) =	sbr.abs _section_cstart, $3  }
0xc1: {  	[dreg:$0x1] =	wrdreg $0xFFFFFFFF  }
0xc2: {  	_ =	task.clear_ibuf [dreg:s7], $0x2FFFF;
	_ =	strace $0x9FFFFFFF  }
0xc3: {  	(tm) =	ssettm $0x7FFFFFFF  }
tec
execute0_lowered:
.L_overlay_start_1:
0x0: {  	(tag) =	ssettag $0x1  }
0x1: {  	s4 =	rddreg [dreg:$0x0]  }
0x2: {  	s7 =	rddreg [dreg:$0x1]  }
0x3: {  	s2 =	rddreg [dreg:$0x2]  }
0x4: {  	s3 =	srdreg.scid;
	s1 =	stileid.u32  }
0x5: {  	s0 =	rddreg [dreg:$0x3];
	s12 =	simm.s32 $0x3200;
	s13 =	simm.s32 $0x6400  }
0x6: {  	s14 =	simm.s32 $0x9600;
	s15 =	simm.s32 $0x1;
	s16 =	simm.s32 $0x3  }
0x7: {  	s17 =	simm.s32 $0xC800;
	s18 =	simm.s32 $0x0;
	s5 =	sand.u32 $0x1, s3  }
0x8: {  	s6 =	sshll.u32 s1, $0x1;
	s3 =	simm.s32 $0x0;
	s29 =	smul.u32 $0xF500, s1  }
0x9: {  	s31 =	sshll.u32 s1, $0x6;
	s8 =	sor.u32 s5, s6;
	[smem:$0x7FF] =	sst s3  }
0xa: {  	s5 =	ssub.s32 $0x2, s5;
	s6 =	sor.u32 $0x1C04, s31;
	s9 =	smul.u32 $0xC80, s8  }
0xb: {  	_ =	strace $0x80000047;
	s10 =	sshrl.u32 s29, $0x3;
	s11 =	sshrl.u32 s5, $0x1  }
0xc: {  	s30 =	sadd.s32 s29, s2;
	s8 =	sshll.u32 s8, $0x4;
	s10 =	sadd.s32 s10, s4  }
0xd: {  	s11 =	ssub.s32 s5, s11;
	s7 =	sadd.s32 s7, s8;
	s9 =	sadd.s32 s9, s4  }
0xe: {  	s5 =	sadd.s32 $0xE00, s10;
	s8 =	smax.u32 s11, $0x1;
	s10 =	simm.s32 $0x4  }
0xf: {  	s11 =	simm.s32 $0x2;
	s4 =	sadd.s32 $0x1F800, s9;
	s9 =	sshrl.u32 s30, $0x3  }
.LBB2_1:
0x10: {  	[tilespmem:s3], [sflag:$0x2] =	stream.linear.gather [hbm4b:s4+s3], $0x6400, $0x38;
	[tilespmem:$0x1BD80] =	vst v63  }
0x11: {  	[spmem:s9], [sflag:s6] =	dma.local [hbm:s5], $0x1EA0  }
0x12: {  	_ =	swait.ge [sflag:s10], $0x1EA0  }
0x13: {  	[sflag:s10] =	ssyncset.done $0x0  }
0x14: {  	[sflag:s10] =	ssyncadd.s32 $0xFFFFE160  }
0x15: {  	_ =	swait.ge [sflag:s11], $0x6400  }
0x16: {  	[sflag:s11] =	ssyncset.done $0x0  }
0x17: {  	[sflag:s11] =	ssyncadd.s32 $0xFFFF9C00  }
0x18: {  	[bflag:$0x0] =	sbarrier.arrive $0xFFFF  }
0x19: {  	[tilespmem:s13], [sflag:$0x1] =	stream.indirect.gather [spmem:s2], $0x1, s3, s12, $0xb8;
	[tilespmem:$0x1BD80] =	vst v63  }
0x1a: {  	_ = 	snop  }
0x1b: {  	[tilespmem:s14], [sflag:$0x3] =	stream.indirect.gather [spmem:s2], $0x1, s12, s12, $0xb8;
	[tilespmem:$0x1BD80] =	vst v63  }
0x1c: {  	_ =	swait.ge [sflag:s15], $0x3200  }
0x1d: {  	[sflag:s15] =	ssyncset.done $0x0  }
0x1e: {  	s21 =	simm.s32 $0x0;
	[sflag:s15] =	ssyncadd.s32 $0xFFFFCE00  }
0x1f: {  	v0 =	vld [tilespmem:s21+$0x6470]  }
0x20: {  	v2 =	vld [tilespmem:s21+$0x6400]  }
0x21: {  	v4 =	vld [tilespmem:s21+$0x6410]  }
0x22: {  	v5 =	vld [tilespmem:s21+$0x6420]  }
0x23: {  	v8 =	vld [tilespmem:s21+$0x6430]  }
0x24: {  	v3 =	vimm.f32 $0.0e+00;
	v9 =	vimm.f32 $0.0e+00;
	v6 =	vld [tilespmem:s21+$0x6440]  }
0x25: {  	v10 =	vimm.f32 $0.0e+00;
	v7 =	vimm.f32 $0.0e+00;
	v11 =	vld [tilespmem:s21+$0x6450];
	v1 =	vadd.f32 v0, v3  }
0x26: {  	s19 =	simm.s32 $0x80;
	s20 =	simm.s32 $0x400;
	v12 =	vld [tilespmem:s21+$0x6460];
	v0 =	vadd.f32 v2, v3;
	v2 =	vadd.f32 v4, v3;
	v4 =	vimm.f32 $0.0e+00  }
.LBB2_2:
0x27: {  	p0 =	sne.s32 s20, $0xC600;
	v13 =	vld [tilespmem:s19+$0x6470];
	v3 =	vadd.f32 v5, v3  }
0x28: {  	v14 =	vld [tilespmem:s19+$0x6400];
	v4 =	vadd.f32 v8, v4  }
0x29: {  	v15 =	vld [tilespmem:s19+$0x6410];
	v9 =	vadd.f32 v6, v9  }
.Ltmp0:
0x2a: {  	v5 =	vld [tilespmem:s19+$0x6420];
	v10 =	vadd.f32 v11, v10;
	(pc) =	sbr.rel @p0 .LBB2_2-.Ltmp0, $4  }
0x2b: {  	v8 =	vld [tilespmem:s19+$0x6430];
	v7 =	vadd.f32 v12, v7  }
0x2c: {  	v6 =	vld [tilespmem:s19+$0x6440];
	v1 =	vadd.f32 v13, v1  }
0x2d: {  	v0 =	vadd.f32 v14, v0;
	v11 =	vld [tilespmem:s19+$0x6450]  }
0x2e: {  	v2 =	vadd.f32 v15, v2;
	v12 =	vld [tilespmem:s19+$0x6460];
	s19 =	sshra.s32 s20, $0x2;
	s20 =	sadd.s32 $0x200, s20  }
0x2f: {  	v13 =	vld [tilespmem:s19+$0x6470]  }
0x30: {  	v14 =	vld [tilespmem:s19+$0x6400]  }
0x31: {  	v15 =	vld [tilespmem:s19+$0x6410]  }
0x32: {  	v16 =	vld [tilespmem:s19+$0x6420]  }
0x33: {  	v17 =	vld [tilespmem:s19+$0x6430]  }
0x34: {  	v18 =	vld [tilespmem:s19+$0x6440]  }
0x35: {  	v19 =	vld [tilespmem:s19+$0x6450]  }
0x36: {  	v20 =	vld [tilespmem:s19+$0x6460];
	_ =	swait.ge [sflag:s16], $0x3200  }
0x37: {  	[sflag:s16] =	ssyncset.done $0x0  }
0x38: {  	s21 =	simm.s32 $0x0;
	[sflag:s16] =	ssyncadd.s32 $0xFFFFCE00  }
0x39: {  	v3 =	vadd.f32 v5, v3;
	v4 =	vadd.f32 v8, v4;
	v5 =	vld [tilespmem:s21+$0x9670]  }
0x3a: {  	v21 =	vadd.f32 v6, v9;
	v11 =	vadd.f32 v11, v10;
	v22 =	vld [tilespmem:s21+$0x9600]  }
0x3b: {  	v23 =	vld [tilespmem:s21+$0x9610];
	v12 =	vadd.f32 v12, v7;
	v13 =	vadd.f32 v13, v1  }
0x3c: {  	v10 =	vld [tilespmem:s21+$0x9620];
	v14 =	vadd.f32 v14, v0;
	v15 =	vadd.f32 v15, v2  }
0x3d: {  	v9 =	vld [tilespmem:s21+$0x9630];
	v8 =	vadd.f32 v16, v3;
	v6 =	vadd.f32 v17, v4  }
0x3e: {  	v7 =	vld [tilespmem:s21+$0x9640];
	v4 =	vadd.f32 v18, v21;
	v2 =	vadd.f32 v19, v11  }
0x3f: {  	v1 =	vadd.f32 v20, v12;
	v0 =	vadd.f32 v5, v13;
	v5 =	vld [tilespmem:s21+$0x9650]  }
0x40: {  	s19 =	simm.s32 $0x80;
	s20 =	simm.s32 $0x400;
	v3 =	vld [tilespmem:s21+$0x9660];
	v12 =	vadd.f32 v22, v14;
	v11 =	vadd.f32 v23, v15  }
.LBB2_4:
0x41: {  	p0 =	sne.s32 s20, $0xC600;
	v13 =	vld [tilespmem:s19+$0x9670];
	v8 =	vadd.f32 v10, v8  }
0x42: {  	v14 =	vld [tilespmem:s19+$0x9600];
	v6 =	vadd.f32 v9, v6  }
0x43: {  	v15 =	vld [tilespmem:s19+$0x9610];
	v4 =	vadd.f32 v7, v4  }
.Ltmp1:
0x44: {  	v10 =	vld [tilespmem:s19+$0x9620];
	v2 =	vadd.f32 v5, v2;
	(pc) =	sbr.rel @p0 .LBB2_4-.Ltmp1, $4  }
0x45: {  	v9 =	vld [tilespmem:s19+$0x9630];
	v1 =	vadd.f32 v3, v1  }
0x46: {  	v7 =	vld [tilespmem:s19+$0x9640];
	v0 =	vadd.f32 v13, v0  }
0x47: {  	v12 =	vadd.f32 v14, v12;
	v5 =	vld [tilespmem:s19+$0x9650]  }
0x48: {  	v11 =	vadd.f32 v15, v11;
	v3 =	vld [tilespmem:s19+$0x9660];
	s19 =	sshra.s32 s20, $0x2;
	s20 =	sadd.s32 $0x200, s20  }
0x49: {  	v13 =	vld [tilespmem:s19+$0x9600];
	_ =	sdelay $0x4  }
0x4a: {  	v12 =	vadd.f32 v13, v12;
	_ =	sdelay $0x1  }
0x4b: {  	v12 =	vsub.f32 $0.0e+00, v12;
	_ =	sdelay $0x1  }
0x4c: {  	v12 =	vmul.f32 $1.442695020e+00, v12;
	_ =	sdelay $0x1  }
0x4d: {  	(erf) = vpow2.f32 v12;
	_ =	sdelay $0x1  }
0x4e: {  	v41 =	vld [tilespmem:s19+$0x9610];
	_ =	sdelay $0x4  }
0x4f: {  	v11 =	vadd.f32 v41, v11;
	_ =	sdelay $0x1  }
0x50: {  	v11 =	vsub.f32 $0.0e+00, v11;
	v42 =	vpop (erf)  }
0x51: {  	v12 =	vadd.f32 $1.000000000e+00, v42  }
0x52: {  	v11 =	vmul.f32 $1.442695020e+00, v11  }
0x53: {  	(erf) = vrcp.f32 v12  }
0x54: {  	(erf) = vpow2.f32 v11;
	_ =	sdelay $0x1  }
0x55: {  	v43 =	vld [tilespmem:s19+$0x9620];
	_ =	sdelay $0x2  }
0x56: {  	v8 =	vadd.f32 v10, v8;
	_ =	sdelay $0x1  }
0x57: {  	v8 =	vadd.f32 v43, v8  }
0x58: {  	v44 =	vpop (erf)  }
0x59: {  	v8 =	vsub.f32 $0.0e+00, v8;
	v45 =	vpop (erf)  }
0x5a: {  	v11 =	vadd.f32 $1.000000000e+00, v45  }
0x5b: {  	v8 =	vmul.f32 $1.442695020e+00, v8  }
0x5c: {  	(erf) = vrcp.f32 v11  }
0x5d: {  	(erf) = vpow2.f32 v8;
	_ =	sdelay $0x1  }
0x5e: {  	v46 =	vld [tilespmem:s19+$0x9630];
	_ =	sdelay $0x2  }
0x5f: {  	v6 =	vadd.f32 v9, v6;
	_ =	sdelay $0x1  }
0x60: {  	v6 =	vadd.f32 v46, v6  }
0x61: {  	v47 =	vpop (erf)  }
0x62: {  	v6 =	vsub.f32 $0.0e+00, v6;
	v48 =	vpop (erf)  }
0x63: {  	v9 =	vadd.f32 $1.000000000e+00, v48  }
0x64: {  	v6 =	vmul.f32 $1.442695020e+00, v6  }
0x65: {  	(erf) = vrcp.f32 v9  }
0x66: {  	(erf) = vpow2.f32 v6;
	_ =	sdelay $0x1  }
0x67: {  	v49 =	vld [tilespmem:s19+$0x9640];
	_ =	sdelay $0x2  }
0x68: {  	v4 =	vadd.f32 v7, v4;
	_ =	sdelay $0x1  }
0x69: {  	v4 =	vadd.f32 v49, v4  }
0x6a: {  	v50 =	vpop (erf)  }
0x6b: {  	v4 =	vsub.f32 $0.0e+00, v4;
	v51 =	vpop (erf)  }
0x6c: {  	v7 =	vadd.f32 $1.000000000e+00, v51  }
0x6d: {  	v4 =	vmul.f32 $1.442695020e+00, v4  }
0x6e: {  	(erf) = vrcp.f32 v7  }
0x6f: {  	(erf) = vpow2.f32 v4;
	_ =	sdelay $0x1  }
0x70: {  	v52 =	vld [tilespmem:s19+$0x9650];
	_ =	sdelay $0x2  }
0x71: {  	v2 =	vadd.f32 v5, v2;
	_ =	sdelay $0x1  }
0x72: {  	v2 =	vadd.f32 v52, v2  }
0x73: {  	v53 =	vpop (erf)  }
0x74: {  	v2 =	vsub.f32 $0.0e+00, v2;
	v54 =	vpop (erf)  }
0x75: {  	v5 =	vadd.f32 $1.000000000e+00, v54  }
0x76: {  	v2 =	vmul.f32 $1.442695020e+00, v2  }
0x77: {  	(erf) = vrcp.f32 v5  }
0x78: {  	(erf) = vpow2.f32 v2;
	_ =	sdelay $0x1  }
0x79: {  	v55 =	vld [tilespmem:s19+$0x9660];
	_ =	sdelay $0x2  }
0x7a: {  	v1 =	vadd.f32 v3, v1;
	_ =	sdelay $0x1  }
0x7b: {  	v1 =	vadd.f32 v55, v1  }
0x7c: {  	v56 =	vpop (erf)  }
0x7d: {  	v1 =	vsub.f32 $0.0e+00, v1;
	v57 =	vpop (erf)  }
0x7e: {  	v3 =	vadd.f32 $1.000000000e+00, v57  }
0x7f: {  	v1 =	vmul.f32 $1.442695020e+00, v1  }
0x80: {  	(erf) = vrcp.f32 v3  }
0x81: {  	(erf) = vpow2.f32 v1;
	_ =	sdelay $0x1  }
0x82: {  	v58 =	vld [tilespmem:s19+$0x9670];
	_ =	sdelay $0x4  }
0x83: {  	v0 =	vadd.f32 v58, v0  }
0x84: {  	v59 =	vpop (erf)  }
0x85: {  	v0 =	vsub.f32 $0.0e+00, v0;
	v60 =	vpop (erf)  }
0x86: {  	v3 =	vadd.f32 $1.000000000e+00, v60  }
0x87: {  	v0 =	vmul.f32 $1.442695020e+00, v0  }
0x88: {  	(erf) = vrcp.f32 v3  }
0x89: {  	(erf) = vpow2.f32 v0;
	_ =	sdelay $0x7  }
0x8a: {  	v61 =	vpop (erf)  }
0x8b: {  	v62 =	vpop (erf)  }
0x8c: {  	v3 =	vadd.f32 $1.000000000e+00, v62;
	_ =	sdelay $0x1  }
0x8d: {  	(erf) = vrcp.f32 v3;
	_ =	sdelay $0x2  }
0x8e: {  	[tilespmem:$0xC800] =	vst v44  }
0x8f: {  	[tilespmem:$0xC810] =	vst v47  }
0x90: {  	[tilespmem:$0xC820] =	vst v50  }
0x91: {  	[tilespmem:$0xC830] =	vst v53  }
0x92: {  	[tilespmem:$0xC840] =	vst v56  }
0x93: {  	s18 =	sadd.s32 $0x1, s18;
	[tilespmem:$0xC850] =	vst v59  }
0x94: {  	p0 =	sne.s32 s18, s8;
	[tilespmem:$0xC860] =	vst v61;
	v63 =	vpop (erf)  }
.Ltmp2:
0x95: {  	[tilespmem:$0xC870] =	vst v63;
	(pc) =	sbr.rel @p0 .LBB2_1-.Ltmp2, $4  }
0x96: {  	[hbm4b:s7+s3] =	stream.linear.scatter [tilespmem:s17], [sflag:$0x4], $0x80, $0x38;
	[tilespmem:$0x1BD80] =	vst v63  }
0x97: {  	_ =	swait.ge [sflag:s10], $0x80  }
0x98: {  	[sflag:s10] =	ssyncset.done $0x0  }
0x99: {  	[sflag:s10] =	ssyncadd.s32 $0xFFFFFF80  }
0x9a: {  	_ =	sfence.sel $0x180000  }
0x9b: {  	[bflag:$0x0] =	sbarrier.arrive $0xFFFF  }
0x9c: {  	p0 =	sne.s32 s1, $0x0;
	_ =	strace $0x90000047  }
0x9d: {  	s0 =	sadd.s32 @!p0 $0x100000, s0;
	[bflag:$0x2] =	sbarrier.arrive $0xFFFF  }
0x9e: {  	[sflag:s0] =	ssyncadd.tile.s32 @!p0 $0x1;
	_ =	shalt  }
.Lfunc_end2:
_tile_overlayer_lowered:
.L_overlay_start_2:
0x9f: {  	(tag) =	ssettag $0x2  }
0xa0: {  	s0 =	rddreg [dreg:$0x0];
	s2 =	stileid.u32  }
0xa1: {  	s1 =	rddreg [dreg:$0x1];
	p0 =	sne.s32 s2, $0x0  }
0xa2: {  	s3 =	rddreg [dreg:$0x2];
	[bflag:$0x3] =	sbarrier.arrive $0xFFFF;
	s2 =	simm.s32 @!p0 $0x1C04  }
0xa3: {  	[timem:s3], [sflag:s2] =	dma.local @!p0 [hbm:s0], s1  }
0xa4: {  	s0 =	simm.s32 @!p0 $0x4  }
0xa5: {  	_ =	swait.ge @!p0 [sflag:s0], s1  }
0xa6: {  	s1 =	ssub.s32 @!p0 $0x0, s1;
	[sflag:s0] =	ssyncset.done @!p0 $0x0  }
0xa7: {  	[sflag:s0] =	ssyncadd.s32 @!p0 s1  }
0xa8: {  	[bflag:$0x3] =	sbarrier.arrive $0xFFFF  }
0xa9: {  	_ =	shalt  }

</sc_bundles>
